<compile_context>
chip_gen: v7x
topology: tpu7x:2x2x1
jax: 0.10.2.dev20260603
libtpu: 0.0.44.dev20260713+nightly
codegen_flags: <defaults>
</compile_context>

<pallas_src>
import functools

import jax
import jax.numpy as jnp
from jax import lax
from jax.experimental import pallas as pl
from jax.experimental.pallas import tpu as pltpu
from jax.experimental.pallas import tpu_sc as plsc

D_MODEL = 64

_NC = 2
_NS = 16
_NW = _NC * _NS

_GROUP = 128
_NBUF = 5

_TW = 8192


def _transpose_kernel(n_vocab: int):
    steps = (n_vocab + _TW - 1) // _TW

    def body(tt_ref, out_ref):
        x = tt_ref[...]
        xs = jnp.concatenate([x[:, 0::2], x[:, 1::2]], axis=0)
        y = jnp.transpose(xs, (1, 0))
        out_ref[...] = jnp.reshape(y, (_TW * D_MODEL,))

    return pl.pallas_call(
        body,
        grid=(steps,),
        in_specs=[
            pl.BlockSpec((D_MODEL, _TW), lambda c: (0, c)),
        ],
        out_specs=pl.BlockSpec((_TW * D_MODEL,), lambda c: (c,)),
        out_shape=jax.ShapeDtypeStruct((n_vocab * D_MODEL,), jnp.float32),
        compiler_params=pltpu.CompilerParams(
            dimension_semantics=("arbitrary",)
        ),
    )


def _gather_kernel(n_rows: int):
    rows_per_w = n_rows // _NW
    groups = rows_per_w // _GROUP
    mesh = plsc.VectorSubcoreMesh(core_axis_name="c", subcore_axis_name="s")

    @functools.partial(
        pl.kernel,
        mesh=mesh,
        out_type=jax.ShapeDtypeStruct((n_rows, D_MODEL), jnp.float32),
        compiler_params=pltpu.CompilerParams(use_tc_tiling_on_sc=False),
        scratch_types=(
            [pltpu.VMEM((groups, _GROUP), jnp.int32)]
            + [pltpu.VMEM((_GROUP, D_MODEL), jnp.float32) for _ in range(_NBUF)]
            + [pltpu.SemaphoreType.DMA for _ in range(2 * _NBUF)]
        ),
    )
    def k(table_hbm, idx_hbm, out_hbm, idx_v, *rest):
        rows = rest[:_NBUF]
        gsem = rest[_NBUF : 2 * _NBUF]
        osem = rest[2 * _NBUF :]
        wid = lax.axis_index("s") * _NC + lax.axis_index("c")
        base = wid * rows_per_w

        pltpu.sync_copy(idx_hbm.at[wid], idx_v)

        def fire(g, b):
            pltpu.async_copy(table_hbm.at[idx_v.at[g]], rows[b], gsem[b])

        def drain_g(b):
            pltpu.make_async_copy(
                table_hbm.at[pl.ds(0, _GROUP), :], rows[b], gsem[b]
            ).wait()

        def drain_o(b):
            pltpu.make_async_copy(
                table_hbm.at[pl.ds(0, _GROUP), :], rows[b], osem[b]
            ).wait()

        for b in range(_NBUF):
            fire(b, b)

        def body(s, carry):
            for b in range(_NBUF):
                g = _NBUF * s + b
                drain_g(b)
                pltpu.async_copy(
                    rows[b],
                    out_hbm.at[pl.ds(base + g * _GROUP, _GROUP), :],
                    osem[b],
                )
            for b in range(_NBUF):
                gn = _NBUF * (s + 1) + b

                @pl.when(gn < groups)
                def _():
                    drain_o(b)
                    fire(gn, b)

            return carry

        lax.fori_loop(0, groups // _NBUF, body, 0)
        for b in range(_NBUF):
            drain_o(b)

    return k


def kernel(x, table):
    n_i, n_j = x.shape
    n_rows = n_i * n_j
    n_vocab = table.shape[0]
    idx = x.reshape(_NW, (n_rows // _NW) // _GROUP, _GROUP).astype(jnp.int32)
    del n_vocab
    out = _gather_kernel(n_rows)(table, idx)
    return out.reshape(n_i, n_j, D_MODEL)

# --- scband reference (transcript-rebuilt; emitter-appended) ---
"""Pipeline reference for scband-hand-embedding-15393162788981 (READ-ONLY COPY).

The authoritative reference and input builder live on the scoring server;
editing this copy changes nothing except your own understanding.
"""

import jax, jax.numpy as jnp
import numpy as np

NUM_CARD = 999999
D_MODEL = 64
VOCAB = NUM_CARD + 1

def setup_inputs(seed: int = 0) -> dict:
    key = jax.random.key(seed)
    k1, k2 = jax.random.split(key)
    x = jax.random.randint(k1, (16384, 20), 0, VOCAB, dtype=jnp.int64 if jax.config.jax_enable_x64 else jnp.int32)
    # Embedding table (learned parameter), Keras default uniform init
    table = jax.random.uniform(k2, (VOCAB, D_MODEL), dtype=jnp.float32, minval=-0.05, maxval=0.05)
    return {"x": x, "table": table}

def reference(x, table):
    # HandEmbedding.call: self.emb(x) -> gather rows of table
    return jnp.take(table, x, axis=0)

if __name__ == "__main__":
    import jax
    _d = setup_inputs()
    print(jax.jit(kernel)(*tuple(_d.values())))

</pallas_src>

<mosaic_0001>
#map = affine_map<(d0, d1) -> (0, 0)>
#map1 = affine_map<(d0, d1) -> (0, 0, 0)>
module attributes {stable_mosaic.version = 14 : i64} {
  func.func @k(%arg0: i32, %arg1: i32, %arg2: memref<1000000x64xf32, #tpu.memory_space<hbm>>, %arg3: memref<32x80x128xi32, #tpu.memory_space<hbm>>, %arg4: memref<327680x64xf32, #tpu.memory_space<hbm>>, %arg5: memref<80x128xi32, #tpu.memory_space<vmem>>, %arg6: memref<128x64xf32, #tpu.memory_space<vmem>>, %arg7: memref<128x64xf32, #tpu.memory_space<vmem>>, %arg8: memref<128x64xf32, #tpu.memory_space<vmem>>, %arg9: memref<128x64xf32, #tpu.memory_space<vmem>>, %arg10: memref<128x64xf32, #tpu.memory_space<vmem>>, %arg11: memref<!tpu.dma_semaphore, #tpu.memory_space<semaphore_mem>>, %arg12: memref<!tpu.dma_semaphore, #tpu.memory_space<semaphore_mem>>, %arg13: memref<!tpu.dma_semaphore, #tpu.memory_space<semaphore_mem>>, %arg14: memref<!tpu.dma_semaphore, #tpu.memory_space<semaphore_mem>>, %arg15: memref<!tpu.dma_semaphore, #tpu.memory_space<semaphore_mem>>, %arg16: memref<!tpu.dma_semaphore, #tpu.memory_space<semaphore_mem>>, %arg17: memref<!tpu.dma_semaphore, #tpu.memory_space<semaphore_mem>>, %arg18: memref<!tpu.dma_semaphore, #tpu.memory_space<semaphore_mem>>, %arg19: memref<!tpu.dma_semaphore, #tpu.memory_space<semaphore_mem>>, %arg20: memref<!tpu.dma_semaphore, #tpu.memory_space<semaphore_mem>>) attributes {dimension_semantics = [#tpu.dimension_semantics<core_parallel>, #tpu.dimension_semantics<subcore_parallel>], iteration_bounds = array<i64: 2, 16>, scalar_prefetch = 0 : i64, scratch_operands = 16 : i64, tpu.core_type = #tpu.core_type<sc_vector_subcore>, window_params = [{transform_indices = #map}, {transform_indices = #map1}, {transform_indices = #map}]} {
    %mul3A = arith.constant 2 : i32
    %mul3A_0 = arith.muli %arg1, %mul3A : i32
    %add3A = arith.addi %mul3A_0, %arg0 : i32
    %mul3A_1 = arith.constant 10240 : i32
    %mul3A_2 = arith.muli %add3A, %mul3A_1 : i32
    "tpu.region"() ({
      %run_scoped3A = tpu.sem_alloc : memref<!tpu.dma_semaphore, #tpu.memory_space<semaphore_mem>>
      %dma_start3A_71 = arith.constant 0 : i32
      %dma_start3A_72 = arith.constant 0 : i32
      %dma_start3A_73 = tpu.memref_slice %arg3[%add3A, %dma_start3A_71, %dma_start3A_72] : memref<32x80x128xi32, #tpu.memory_space<hbm>> -> memref<1x80x128xi32, #tpu.memory_space<hbm>>
      %dma_start3A_74 = tpu.memref_squeeze %dma_start3A_73 : memref<1x80x128xi32, #tpu.memory_space<hbm>> -> memref<80x128xi32, #tpu.memory_space<hbm>>
      %dma_start3A_75 = arith.constant 0 : i32
      %dma_start3A_76 = arith.constant 0 : i32
      %dma_start3A_77 = tpu.memref_slice %arg3[%add3A, %dma_start3A_75, %dma_start3A_76] : memref<32x80x128xi32, #tpu.memory_space<hbm>> -> memref<1x80x128xi32, #tpu.memory_space<hbm>>
      %dma_start3A_78 = tpu.memref_squeeze %dma_start3A_77 : memref<1x80x128xi32, #tpu.memory_space<hbm>> -> memref<80x128xi32, #tpu.memory_space<hbm>>
      tpu.enqueue_dma source(%dma_start3A_78 : memref<80x128xi32, #tpu.memory_space<hbm>>) target(%arg5 : memref<80x128xi32, #tpu.memory_space<vmem>>) target_semaphore(%run_scoped3A : memref<!tpu.dma_semaphore, #tpu.memory_space<semaphore_mem>>)
      %dma_wait3A_79 = arith.constant 0 : i32
      %dma_wait3A_80 = arith.constant 0 : i32
      %dma_wait3A_81 = tpu.memref_slice %arg3[%add3A, %dma_wait3A_79, %dma_wait3A_80] : memref<32x80x128xi32, #tpu.memory_space<hbm>> -> memref<1x80x128xi32, #tpu.memory_space<hbm>>
      %dma_wait3A_82 = tpu.memref_squeeze %dma_wait3A_81 : memref<1x80x128xi32, #tpu.memory_space<hbm>> -> memref<80x128xi32, #tpu.memory_space<hbm>>
      %dma_wait3A_83 = arith.constant 0 : i32
      %dma_wait3A_84 = arith.constant 0 : i32
      %dma_wait3A_85 = tpu.memref_slice %arg3[%add3A, %dma_wait3A_83, %dma_wait3A_84] : memref<32x80x128xi32, #tpu.memory_space<hbm>> -> memref<1x80x128xi32, #tpu.memory_space<hbm>>
      %dma_wait3A_86 = tpu.memref_squeeze %dma_wait3A_85 : memref<1x80x128xi32, #tpu.memory_space<hbm>> -> memref<80x128xi32, #tpu.memory_space<hbm>>
      tpu.wait_dma2 semaphore(%run_scoped3A : memref<!tpu.dma_semaphore, #tpu.memory_space<semaphore_mem>>) src(%dma_wait3A_86 : memref<80x128xi32, #tpu.memory_space<hbm>>) dst(%arg5 : memref<80x128xi32, #tpu.memory_space<vmem>>)
      tpu.yield
    }) : () -> ()
    %dma_start3A = arith.constant 0 : i32
    %dma_start3A_3 = arith.constant 0 : i32
    %dma_start3A_4 = tpu.memref_slice %arg5[%dma_start3A, %dma_start3A_3] : memref<80x128xi32, #tpu.memory_space<vmem>> -> memref<1x128xi32, #tpu.memory_space<vmem>>
    %dma_start3A_5 = tpu.memref_squeeze %dma_start3A_4 : memref<1x128xi32, #tpu.memory_space<vmem>> -> memref<128xi32, #tpu.memory_space<vmem>>
    %dma_start3A_6 = arith.constant 0 : i32
    %dma_start3A_7 = arith.constant 0 : i32
    %dma_start3A_8 = tpu.memref_slice %arg2[%dma_start3A_6, %dma_start3A_7] : memref<1000000x64xf32, #tpu.memory_space<hbm>> -> memref<1000000x64xf32, #tpu.memory_space<hbm>>
    tpu.enqueue_indirect_dma source(%dma_start3A_8 : memref<1000000x64xf32, #tpu.memory_space<hbm>>) target(%arg6 : memref<128x64xf32, #tpu.memory_space<vmem>>) offsets(%dma_start3A_5 : memref<128xi32, #tpu.memory_space<vmem>>) semaphore(%arg11 : memref<!tpu.dma_semaphore, #tpu.memory_space<semaphore_mem>>)
    %dma_start3A_9 = arith.constant 1 : i32
    %dma_start3A_10 = arith.constant 0 : i32
    %dma_start3A_11 = tpu.memref_slice %arg5[%dma_start3A_9, %dma_start3A_10] : memref<80x128xi32, #tpu.memory_space<vmem>> -> memref<1x128xi32, #tpu.memory_space<vmem>>
    %dma_start3A_12 = tpu.memref_squeeze %dma_start3A_11 : memref<1x128xi32, #tpu.memory_space<vmem>> -> memref<128xi32, #tpu.memory_space<vmem>>
    %dma_start3A_13 = arith.constant 0 : i32
    %dma_start3A_14 = arith.constant 0 : i32
    %dma_start3A_15 = tpu.memref_slice %arg2[%dma_start3A_13, %dma_start3A_14] : memref<1000000x64xf32, #tpu.memory_space<hbm>> -> memref<1000000x64xf32, #tpu.memory_space<hbm>>
    tpu.enqueue_indirect_dma source(%dma_start3A_15 : memref<1000000x64xf32, #tpu.memory_space<hbm>>) target(%arg7 : memref<128x64xf32, #tpu.memory_space<vmem>>) offsets(%dma_start3A_12 : memref<128xi32, #tpu.memory_space<vmem>>) semaphore(%arg12 : memref<!tpu.dma_semaphore, #tpu.memory_space<semaphore_mem>>)
    %dma_start3A_16 = arith.constant 2 : i32
    %dma_start3A_17 = arith.constant 0 : i32
    %dma_start3A_18 = tpu.memref_slice %arg5[%dma_start3A_16, %dma_start3A_17] : memref<80x128xi32, #tpu.memory_space<vmem>> -> memref<1x128xi32, #tpu.memory_space<vmem>>
    %dma_start3A_19 = tpu.memref_squeeze %dma_start3A_18 : memref<1x128xi32, #tpu.memory_space<vmem>> -> memref<128xi32, #tpu.memory_space<vmem>>
    %dma_start3A_20 = arith.constant 0 : i32
    %dma_start3A_21 = arith.constant 0 : i32
    %dma_start3A_22 = tpu.memref_slice %arg2[%dma_start3A_20, %dma_start3A_21] : memref<1000000x64xf32, #tpu.memory_space<hbm>> -> memref<1000000x64xf32, #tpu.memory_space<hbm>>
    tpu.enqueue_indirect_dma source(%dma_start3A_22 : memref<1000000x64xf32, #tpu.memory_space<hbm>>) target(%arg8 : memref<128x64xf32, #tpu.memory_space<vmem>>) offsets(%dma_start3A_19 : memref<128xi32, #tpu.memory_space<vmem>>) semaphore(%arg13 : memref<!tpu.dma_semaphore, #tpu.memory_space<semaphore_mem>>)
    %dma_start3A_23 = arith.constant 3 : i32
    %dma_start3A_24 = arith.constant 0 : i32
    %dma_start3A_25 = tpu.memref_slice %arg5[%dma_start3A_23, %dma_start3A_24] : memref<80x128xi32, #tpu.memory_space<vmem>> -> memref<1x128xi32, #tpu.memory_space<vmem>>
    %dma_start3A_26 = tpu.memref_squeeze %dma_start3A_25 : memref<1x128xi32, #tpu.memory_space<vmem>> -> memref<128xi32, #tpu.memory_space<vmem>>
    %dma_start3A_27 = arith.constant 0 : i32
    %dma_start3A_28 = arith.constant 0 : i32
    %dma_start3A_29 = tpu.memref_slice %arg2[%dma_start3A_27, %dma_start3A_28] : memref<1000000x64xf32, #tpu.memory_space<hbm>> -> memref<1000000x64xf32, #tpu.memory_space<hbm>>
    tpu.enqueue_indirect_dma source(%dma_start3A_29 : memref<1000000x64xf32, #tpu.memory_space<hbm>>) target(%arg9 : memref<128x64xf32, #tpu.memory_space<vmem>>) offsets(%dma_start3A_26 : memref<128xi32, #tpu.memory_space<vmem>>) semaphore(%arg14 : memref<!tpu.dma_semaphore, #tpu.memory_space<semaphore_mem>>)
    %dma_start3A_30 = arith.constant 4 : i32
    %dma_start3A_31 = arith.constant 0 : i32
    %dma_start3A_32 = tpu.memref_slice %arg5[%dma_start3A_30, %dma_start3A_31] : memref<80x128xi32, #tpu.memory_space<vmem>> -> memref<1x128xi32, #tpu.memory_space<vmem>>
    %dma_start3A_33 = tpu.memref_squeeze %dma_start3A_32 : memref<1x128xi32, #tpu.memory_space<vmem>> -> memref<128xi32, #tpu.memory_space<vmem>>
    %dma_start3A_34 = arith.constant 0 : i32
    %dma_start3A_35 = arith.constant 0 : i32
    %dma_start3A_36 = tpu.memref_slice %arg2[%dma_start3A_34, %dma_start3A_35] : memref<1000000x64xf32, #tpu.memory_space<hbm>> -> memref<1000000x64xf32, #tpu.memory_space<hbm>>
    tpu.enqueue_indirect_dma source(%dma_start3A_36 : memref<1000000x64xf32, #tpu.memory_space<hbm>>) target(%arg10 : memref<128x64xf32, #tpu.memory_space<vmem>>) offsets(%dma_start3A_33 : memref<128xi32, #tpu.memory_space<vmem>>) semaphore(%arg15 : memref<!tpu.dma_semaphore, #tpu.memory_space<semaphore_mem>>)
    %scan3A = arith.constant 0 : i32
    %scan3A_37 = arith.constant 0 : i32
    %scan3A_38 = arith.constant 16 : i32
    %scan3A_39 = arith.addi %scan3A_37, %scan3A_38 : i32
    %scan3A_40 = arith.constant 1 : i32
    scf.for %scan3A_71 = %scan3A_37 to %scan3A_39 step %scan3A_40  : i32 {
      %mul3A_72 = arith.constant 5 : i32
      %mul3A_73 = arith.muli %mul3A_72, %scan3A_71 : i32
      %add3A_74 = arith.constant 0 : i32
      %add3A_75 = arith.addi %mul3A_73, %add3A_74 : i32
      %dma_wait3A_76 = arith.constant 0 : i32
      %dma_wait3A_77 = arith.constant 0 : i32
      %dma_wait3A_78 = tpu.memref_slice %arg2[%dma_wait3A_76, %dma_wait3A_77] : memref<1000000x64xf32, #tpu.memory_space<hbm>> -> memref<128x64xf32, #tpu.memory_space<hbm>>
      %dma_wait3A_79 = arith.constant 0 : i32
      %dma_wait3A_80 = arith.constant 0 : i32
      %dma_wait3A_81 = tpu.memref_slice %arg2[%dma_wait3A_79, %dma_wait3A_80] : memref<1000000x64xf32, #tpu.memory_space<hbm>> -> memref<128x64xf32, #tpu.memory_space<hbm>>
      tpu.wait_dma2 semaphore(%arg11 : memref<!tpu.dma_semaphore, #tpu.memory_space<semaphore_mem>>) src(%dma_wait3A_81 : memref<128x64xf32, #tpu.memory_space<hbm>>) dst(%arg6 : memref<128x64xf32, #tpu.memory_space<vmem>>)
      %mul3A_82 = arith.constant 128 : i32
      %mul3A_83 = arith.muli %add3A_75, %mul3A_82 : i32
      %add3A_84 = arith.addi %mul3A_2, %mul3A_83 : i32
      %dma_start3A_85 = arith.constant 0 : i32
      %dma_start3A_86 = tpu.memref_slice %arg4[%add3A_84, %dma_start3A_85] : memref<327680x64xf32, #tpu.memory_space<hbm>> -> memref<128x64xf32, #tpu.memory_space<hbm>>
      %dma_start3A_87 = arith.constant 0 : i32
      %dma_start3A_88 = tpu.memref_slice %arg4[%add3A_84, %dma_start3A_87] : memref<327680x64xf32, #tpu.memory_space<hbm>> -> memref<128x64xf32, #tpu.memory_space<hbm>>
      tpu.enqueue_dma source(%arg6 : memref<128x64xf32, #tpu.memory_space<vmem>>) target(%dma_start3A_88 : memref<128x64xf32, #tpu.memory_space<hbm>>) target_semaphore(%arg16 : memref<!tpu.dma_semaphore, #tpu.memory_space<semaphore_mem>>)
      %mul3A_89 = arith.constant 5 : i32
      %mul3A_90 = arith.muli %mul3A_89, %scan3A_71 : i32
      %add3A_91 = arith.constant 1 : i32
      %add3A_92 = arith.addi %mul3A_90, %add3A_91 : i32
      %dma_wait3A_93 = arith.constant 0 : i32
      %dma_wait3A_94 = arith.constant 0 : i32
      %dma_wait3A_95 = tpu.memref_slice %arg2[%dma_wait3A_93, %dma_wait3A_94] : memref<1000000x64xf32, #tpu.memory_space<hbm>> -> memref<128x64xf32, #tpu.memory_space<hbm>>
      %dma_wait3A_96 = arith.constant 0 : i32
      %dma_wait3A_97 = arith.constant 0 : i32
      %dma_wait3A_98 = tpu.memref_slice %arg2[%dma_wait3A_96, %dma_wait3A_97] : memref<1000000x64xf32, #tpu.memory_space<hbm>> -> memref<128x64xf32, #tpu.memory_space<hbm>>
      tpu.wait_dma2 semaphore(%arg12 : memref<!tpu.dma_semaphore, #tpu.memory_space<semaphore_mem>>) src(%dma_wait3A_98 : memref<128x64xf32, #tpu.memory_space<hbm>>) dst(%arg7 : memref<128x64xf32, #tpu.memory_space<vmem>>)
      %mul3A_99 = arith.constant 128 : i32
      %mul3A_100 = arith.muli %add3A_92, %mul3A_99 : i32
      %add3A_101 = arith.addi %mul3A_2, %mul3A_100 : i32
      %dma_start3A_102 = arith.constant 0 : i32
      %dma_start3A_103 = tpu.memref_slice %arg4[%add3A_101, %dma_start3A_102] : memref<327680x64xf32, #tpu.memory_space<hbm>> -> memref<128x64xf32, #tpu.memory_space<hbm>>
      %dma_start3A_104 = arith.constant 0 : i32
      %dma_start3A_105 = tpu.memref_slice %arg4[%add3A_101, %dma_start3A_104] : memref<327680x64xf32, #tpu.memory_space<hbm>> -> memref<128x64xf32, #tpu.memory_space<hbm>>
      tpu.enqueue_dma source(%arg7 : memref<128x64xf32, #tpu.memory_space<vmem>>) target(%dma_start3A_105 : memref<128x64xf32, #tpu.memory_space<hbm>>) target_semaphore(%arg17 : memref<!tpu.dma_semaphore, #tpu.memory_space<semaphore_mem>>)
      %mul3A_106 = arith.constant 5 : i32
      %mul3A_107 = arith.muli %mul3A_106, %scan3A_71 : i32
      %add3A_108 = arith.constant 2 : i32
      %add3A_109 = arith.addi %mul3A_107, %add3A_108 : i32
      %dma_wait3A_110 = arith.constant 0 : i32
      %dma_wait3A_111 = arith.constant 0 : i32
      %dma_wait3A_112 = tpu.memref_slice %arg2[%dma_wait3A_110, %dma_wait3A_111] : memref<1000000x64xf32, #tpu.memory_space<hbm>> -> memref<128x64xf32, #tpu.memory_space<hbm>>
      %dma_wait3A_113 = arith.constant 0 : i32
      %dma_wait3A_114 = arith.constant 0 : i32
      %dma_wait3A_115 = tpu.memref_slice %arg2[%dma_wait3A_113, %dma_wait3A_114] : memref<1000000x64xf32, #tpu.memory_space<hbm>> -> memref<128x64xf32, #tpu.memory_space<hbm>>
      tpu.wait_dma2 semaphore(%arg13 : memref<!tpu.dma_semaphore, #tpu.memory_space<semaphore_mem>>) src(%dma_wait3A_115 : memref<128x64xf32, #tpu.memory_space<hbm>>) dst(%arg8 : memref<128x64xf32, #tpu.memory_space<vmem>>)
      %mul3A_116 = arith.constant 128 : i32
      %mul3A_117 = arith.muli %add3A_109, %mul3A_116 : i32
      %add3A_118 = arith.addi %mul3A_2, %mul3A_117 : i32
      %dma_start3A_119 = arith.constant 0 : i32
      %dma_start3A_120 = tpu.memref_slice %arg4[%add3A_118, %dma_start3A_119] : memref<327680x64xf32, #tpu.memory_space<hbm>> -> memref<128x64xf32, #tpu.memory_space<hbm>>
      %dma_start3A_121 = arith.constant 0 : i32
      %dma_start3A_122 = tpu.memref_slice %arg4[%add3A_118, %dma_start3A_121] : memref<327680x64xf32, #tpu.memory_space<hbm>> -> memref<128x64xf32, #tpu.memory_space<hbm>>
      tpu.enqueue_dma source(%arg8 : memref<128x64xf32, #tpu.memory_space<vmem>>) target(%dma_start3A_122 : memref<128x64xf32, #tpu.memory_space<hbm>>) target_semaphore(%arg18 : memref<!tpu.dma_semaphore, #tpu.memory_space<semaphore_mem>>)
      %mul3A_123 = arith.constant 5 : i32
      %mul3A_124 = arith.muli %mul3A_123, %scan3A_71 : i32
      %add3A_125 = arith.constant 3 : i32
      %add3A_126 = arith.addi %mul3A_124, %add3A_125 : i32
      %dma_wait3A_127 = arith.constant 0 : i32
      %dma_wait3A_128 = arith.constant 0 : i32
      %dma_wait3A_129 = tpu.memref_slice %arg2[%dma_wait3A_127, %dma_wait3A_128] : memref<1000000x64xf32, #tpu.memory_space<hbm>> -> memref<128x64xf32, #tpu.memory_space<hbm>>
      %dma_wait3A_130 = arith.constant 0 : i32
      %dma_wait3A_131 = arith.constant 0 : i32
      %dma_wait3A_132 = tpu.memref_slice %arg2[%dma_wait3A_130, %dma_wait3A_131] : memref<1000000x64xf32, #tpu.memory_space<hbm>> -> memref<128x64xf32, #tpu.memory_space<hbm>>
      tpu.wait_dma2 semaphore(%arg14 : memref<!tpu.dma_semaphore, #tpu.memory_space<semaphore_mem>>) src(%dma_wait3A_132 : memref<128x64xf32, #tpu.memory_space<hbm>>) dst(%arg9 : memref<128x64xf32, #tpu.memory_space<vmem>>)
      %mul3A_133 = arith.constant 128 : i32
      %mul3A_134 = arith.muli %add3A_126, %mul3A_133 : i32
      %add3A_135 = arith.addi %mul3A_2, %mul3A_134 : i32
      %dma_start3A_136 = arith.constant 0 : i32
      %dma_start3A_137 = tpu.memref_slice %arg4[%add3A_135, %dma_start3A_136] : memref<327680x64xf32, #tpu.memory_space<hbm>> -> memref<128x64xf32, #tpu.memory_space<hbm>>
      %dma_start3A_138 = arith.constant 0 : i32
      %dma_start3A_139 = tpu.memref_slice %arg4[%add3A_135, %dma_start3A_138] : memref<327680x64xf32, #tpu.memory_space<hbm>> -> memref<128x64xf32, #tpu.memory_space<hbm>>
      tpu.enqueue_dma source(%arg9 : memref<128x64xf32, #tpu.memory_space<vmem>>) target(%dma_start3A_139 : memref<128x64xf32, #tpu.memory_space<hbm>>) target_semaphore(%arg19 : memref<!tpu.dma_semaphore, #tpu.memory_space<semaphore_mem>>)
      %mul3A_140 = arith.constant 5 : i32
      %mul3A_141 = arith.muli %mul3A_140, %scan3A_71 : i32
      %add3A_142 = arith.constant 4 : i32
      %add3A_143 = arith.addi %mul3A_141, %add3A_142 : i32
      %dma_wait3A_144 = arith.constant 0 : i32
      %dma_wait3A_145 = arith.constant 0 : i32
      %dma_wait3A_146 = tpu.memref_slice %arg2[%dma_wait3A_144, %dma_wait3A_145] : memref<1000000x64xf32, #tpu.memory_space<hbm>> -> memref<128x64xf32, #tpu.memory_space<hbm>>
      %dma_wait3A_147 = arith.constant 0 : i32
      %dma_wait3A_148 = arith.constant 0 : i32
      %dma_wait3A_149 = tpu.memref_slice %arg2[%dma_wait3A_147, %dma_wait3A_148] : memref<1000000x64xf32, #tpu.memory_space<hbm>> -> memref<128x64xf32, #tpu.memory_space<hbm>>
      tpu.wait_dma2 semaphore(%arg15 : memref<!tpu.dma_semaphore, #tpu.memory_space<semaphore_mem>>) src(%dma_wait3A_149 : memref<128x64xf32, #tpu.memory_space<hbm>>) dst(%arg10 : memref<128x64xf32, #tpu.memory_space<vmem>>)
      %mul3A_150 = arith.constant 128 : i32
      %mul3A_151 = arith.muli %add3A_143, %mul3A_150 : i32
      %add3A_152 = arith.addi %mul3A_2, %mul3A_151 : i32
      %dma_start3A_153 = arith.constant 0 : i32
      %dma_start3A_154 = tpu.memref_slice %arg4[%add3A_152, %dma_start3A_153] : memref<327680x64xf32, #tpu.memory_space<hbm>> -> memref<128x64xf32, #tpu.memory_space<hbm>>
      %dma_start3A_155 = arith.constant 0 : i32
      %dma_start3A_156 = tpu.memref_slice %arg4[%add3A_152, %dma_start3A_155] : memref<327680x64xf32, #tpu.memory_space<hbm>> -> memref<128x64xf32, #tpu.memory_space<hbm>>
      tpu.enqueue_dma source(%arg10 : memref<128x64xf32, #tpu.memory_space<vmem>>) target(%dma_start3A_156 : memref<128x64xf32, #tpu.memory_space<hbm>>) target_semaphore(%arg20 : memref<!tpu.dma_semaphore, #tpu.memory_space<semaphore_mem>>)
      %add3A_157 = arith.constant 1 : i32
      %add3A_158 = arith.addi %scan3A_71, %add3A_157 : i32
      %mul3A_159 = arith.constant 5 : i32
      %mul3A_160 = arith.muli %mul3A_159, %add3A_158 : i32
      %add3A_161 = arith.constant 0 : i32
      %add3A_162 = arith.addi %mul3A_160, %add3A_161 : i32
      %lt3A = arith.constant 80 : i32
      %lt3A_163 = arith.cmpi slt, %add3A_162, %lt3A : i32
      %convert_element_type3A = arith.extui %lt3A_163 : i1 to i32
      %cond3A = arith.constant 0 : i32
      %cond3A_164 = arith.cmpi ne, %convert_element_type3A, %cond3A : i32
      scf.if %cond3A_164 {
        %dma_wait3A_209 = arith.constant 0 : i32
        %dma_wait3A_210 = arith.constant 0 : i32
        %dma_wait3A_211 = tpu.memref_slice %arg2[%dma_wait3A_209, %dma_wait3A_210] : memref<1000000x64xf32, #tpu.memory_space<hbm>> -> memref<128x64xf32, #tpu.memory_space<hbm>>
        %dma_wait3A_212 = arith.constant 0 : i32
        %dma_wait3A_213 = arith.constant 0 : i32
        %dma_wait3A_214 = tpu.memref_slice %arg2[%dma_wait3A_212, %dma_wait3A_213] : memref<1000000x64xf32, #tpu.memory_space<hbm>> -> memref<128x64xf32, #tpu.memory_space<hbm>>
        tpu.wait_dma2 semaphore(%arg16 : memref<!tpu.dma_semaphore, #tpu.memory_space<semaphore_mem>>) src(%dma_wait3A_214 : memref<128x64xf32, #tpu.memory_space<hbm>>) dst(%arg6 : memref<128x64xf32, #tpu.memory_space<vmem>>)
        %dma_start3A_215 = arith.constant 0 : i32
        %dma_start3A_216 = tpu.memref_slice %arg5[%add3A_162, %dma_start3A_215] : memref<80x128xi32, #tpu.memory_space<vmem>> -> memref<1x128xi32, #tpu.memory_space<vmem>>
        %dma_start3A_217 = tpu.memref_squeeze %dma_start3A_216 : memref<1x128xi32, #tpu.memory_space<vmem>> -> memref<128xi32, #tpu.memory_space<vmem>>
        %dma_start3A_218 = arith.constant 0 : i32
        %dma_start3A_219 = arith.constant 0 : i32
        %dma_start3A_220 = tpu.memref_slice %arg2[%dma_start3A_218, %dma_start3A_219] : memref<1000000x64xf32, #tpu.memory_space<hbm>> -> memref<1000000x64xf32, #tpu.memory_space<hbm>>
        tpu.enqueue_indirect_dma source(%dma_start3A_220 : memref<1000000x64xf32, #tpu.memory_space<hbm>>) target(%arg6 : memref<128x64xf32, #tpu.memory_space<vmem>>) offsets(%dma_start3A_217 : memref<128xi32, #tpu.memory_space<vmem>>) semaphore(%arg11 : memref<!tpu.dma_semaphore, #tpu.memory_space<semaphore_mem>>)
      } else {
      }
      %add3A_165 = arith.constant 1 : i32
      %add3A_166 = arith.addi %scan3A_71, %add3A_165 : i32
      %mul3A_167 = arith.constant 5 : i32
      %mul3A_168 = arith.muli %mul3A_167, %add3A_166 : i32
      %add3A_169 = arith.constant 1 : i32
      %add3A_170 = arith.addi %mul3A_168, %add3A_169 : i32
      %lt3A_171 = arith.constant 80 : i32
      %lt3A_172 = arith.cmpi slt, %add3A_170, %lt3A_171 : i32
      %convert_element_type3A_173 = arith.extui %lt3A_172 : i1 to i32
      %cond3A_174 = arith.constant 0 : i32
      %cond3A_175 = arith.cmpi ne, %convert_element_type3A_173, %cond3A_174 : i32
      scf.if %cond3A_175 {
        %dma_wait3A_209 = arith.constant 0 : i32
        %dma_wait3A_210 = arith.constant 0 : i32
        %dma_wait3A_211 = tpu.memref_slice %arg2[%dma_wait3A_209, %dma_wait3A_210] : memref<1000000x64xf32, #tpu.memory_space<hbm>> -> memref<128x64xf32, #tpu.memory_space<hbm>>
        %dma_wait3A_212 = arith.constant 0 : i32
        %dma_wait3A_213 = arith.constant 0 : i32
        %dma_wait3A_214 = tpu.memref_slice %arg2[%dma_wait3A_212, %dma_wait3A_213] : memref<1000000x64xf32, #tpu.memory_space<hbm>> -> memref<128x64xf32, #tpu.memory_space<hbm>>
        tpu.wait_dma2 semaphore(%arg17 : memref<!tpu.dma_semaphore, #tpu.memory_space<semaphore_mem>>) src(%dma_wait3A_214 : memref<128x64xf32, #tpu.memory_space<hbm>>) dst(%arg7 : memref<128x64xf32, #tpu.memory_space<vmem>>)
        %dma_start3A_215 = arith.constant 0 : i32
        %dma_start3A_216 = tpu.memref_slice %arg5[%add3A_170, %dma_start3A_215] : memref<80x128xi32, #tpu.memory_space<vmem>> -> memref<1x128xi32, #tpu.memory_space<vmem>>
        %dma_start3A_217 = tpu.memref_squeeze %dma_start3A_216 : memref<1x128xi32, #tpu.memory_space<vmem>> -> memref<128xi32, #tpu.memory_space<vmem>>
        %dma_start3A_218 = arith.constant 0 : i32
        %dma_start3A_219 = arith.constant 0 : i32
        %dma_start3A_220 = tpu.memref_slice %arg2[%dma_start3A_218, %dma_start3A_219] : memref<1000000x64xf32, #tpu.memory_space<hbm>> -> memref<1000000x64xf32, #tpu.memory_space<hbm>>
        tpu.enqueue_indirect_dma source(%dma_start3A_220 : memref<1000000x64xf32, #tpu.memory_space<hbm>>) target(%arg7 : memref<128x64xf32, #tpu.memory_space<vmem>>) offsets(%dma_start3A_217 : memref<128xi32, #tpu.memory_space<vmem>>) semaphore(%arg12 : memref<!tpu.dma_semaphore, #tpu.memory_space<semaphore_mem>>)
      } else {
      }
      %add3A_176 = arith.constant 1 : i32
      %add3A_177 = arith.addi %scan3A_71, %add3A_176 : i32
      %mul3A_178 = arith.constant 5 : i32
      %mul3A_179 = arith.muli %mul3A_178, %add3A_177 : i32
      %add3A_180 = arith.constant 2 : i32
      %add3A_181 = arith.addi %mul3A_179, %add3A_180 : i32
      %lt3A_182 = arith.constant 80 : i32
      %lt3A_183 = arith.cmpi slt, %add3A_181, %lt3A_182 : i32
      %convert_element_type3A_184 = arith.extui %lt3A_183 : i1 to i32
      %cond3A_185 = arith.constant 0 : i32
      %cond3A_186 = arith.cmpi ne, %convert_element_type3A_184, %cond3A_185 : i32
      scf.if %cond3A_186 {
        %dma_wait3A_209 = arith.constant 0 : i32
        %dma_wait3A_210 = arith.constant 0 : i32
        %dma_wait3A_211 = tpu.memref_slice %arg2[%dma_wait3A_209, %dma_wait3A_210] : memref<1000000x64xf32, #tpu.memory_space<hbm>> -> memref<128x64xf32, #tpu.memory_space<hbm>>
        %dma_wait3A_212 = arith.constant 0 : i32
        %dma_wait3A_213 = arith.constant 0 : i32
        %dma_wait3A_214 = tpu.memref_slice %arg2[%dma_wait3A_212, %dma_wait3A_213] : memref<1000000x64xf32, #tpu.memory_space<hbm>> -> memref<128x64xf32, #tpu.memory_space<hbm>>
        tpu.wait_dma2 semaphore(%arg18 : memref<!tpu.dma_semaphore, #tpu.memory_space<semaphore_mem>>) src(%dma_wait3A_214 : memref<128x64xf32, #tpu.memory_space<hbm>>) dst(%arg8 : memref<128x64xf32, #tpu.memory_space<vmem>>)
        %dma_start3A_215 = arith.constant 0 : i32
        %dma_start3A_216 = tpu.memref_slice %arg5[%add3A_181, %dma_start3A_215] : memref<80x128xi32, #tpu.memory_space<vmem>> -> memref<1x128xi32, #tpu.memory_space<vmem>>
        %dma_start3A_217 = tpu.memref_squeeze %dma_start3A_216 : memref<1x128xi32, #tpu.memory_space<vmem>> -> memref<128xi32, #tpu.memory_space<vmem>>
        %dma_start3A_218 = arith.constant 0 : i32
        %dma_start3A_219 = arith.constant 0 : i32
        %dma_start3A_220 = tpu.memref_slice %arg2[%dma_start3A_218, %dma_start3A_219] : memref<1000000x64xf32, #tpu.memory_space<hbm>> -> memref<1000000x64xf32, #tpu.memory_space<hbm>>
        tpu.enqueue_indirect_dma source(%dma_start3A_220 : memref<1000000x64xf32, #tpu.memory_space<hbm>>) target(%arg8 : memref<128x64xf32, #tpu.memory_space<vmem>>) offsets(%dma_start3A_217 : memref<128xi32, #tpu.memory_space<vmem>>) semaphore(%arg13 : memref<!tpu.dma_semaphore, #tpu.memory_space<semaphore_mem>>)
      } else {
      }
      %add3A_187 = arith.constant 1 : i32
      %add3A_188 = arith.addi %scan3A_71, %add3A_187 : i32
      %mul3A_189 = arith.constant 5 : i32
      %mul3A_190 = arith.muli %mul3A_189, %add3A_188 : i32
      %add3A_191 = arith.constant 3 : i32
      %add3A_192 = arith.addi %mul3A_190, %add3A_191 : i32
      %lt3A_193 = arith.constant 80 : i32
      %lt3A_194 = arith.cmpi slt, %add3A_192, %lt3A_193 : i32
      %convert_element_type3A_195 = arith.extui %lt3A_194 : i1 to i32
      %cond3A_196 = arith.constant 0 : i32
      %cond3A_197 = arith.cmpi ne, %convert_element_type3A_195, %cond3A_196 : i32
      scf.if %cond3A_197 {
        %dma_wait3A_209 = arith.constant 0 : i32
        %dma_wait3A_210 = arith.constant 0 : i32
        %dma_wait3A_211 = tpu.memref_slice %arg2[%dma_wait3A_209, %dma_wait3A_210] : memref<1000000x64xf32, #tpu.memory_space<hbm>> -> memref<128x64xf32, #tpu.memory_space<hbm>>
        %dma_wait3A_212 = arith.constant 0 : i32
        %dma_wait3A_213 = arith.constant 0 : i32
        %dma_wait3A_214 = tpu.memref_slice %arg2[%dma_wait3A_212, %dma_wait3A_213] : memref<1000000x64xf32, #tpu.memory_space<hbm>> -> memref<128x64xf32, #tpu.memory_space<hbm>>
        tpu.wait_dma2 semaphore(%arg19 : memref<!tpu.dma_semaphore, #tpu.memory_space<semaphore_mem>>) src(%dma_wait3A_214 : memref<128x64xf32, #tpu.memory_space<hbm>>) dst(%arg9 : memref<128x64xf32, #tpu.memory_space<vmem>>)
        %dma_start3A_215 = arith.constant 0 : i32
        %dma_start3A_216 = tpu.memref_slice %arg5[%add3A_192, %dma_start3A_215] : memref<80x128xi32, #tpu.memory_space<vmem>> -> memref<1x128xi32, #tpu.memory_space<vmem>>
        %dma_start3A_217 = tpu.memref_squeeze %dma_start3A_216 : memref<1x128xi32, #tpu.memory_space<vmem>> -> memref<128xi32, #tpu.memory_space<vmem>>
        %dma_start3A_218 = arith.constant 0 : i32
        %dma_start3A_219 = arith.constant 0 : i32
        %dma_start3A_220 = tpu.memref_slice %arg2[%dma_start3A_218, %dma_start3A_219] : memref<1000000x64xf32, #tpu.memory_space<hbm>> -> memref<1000000x64xf32, #tpu.memory_space<hbm>>
        tpu.enqueue_indirect_dma source(%dma_start3A_220 : memref<1000000x64xf32, #tpu.memory_space<hbm>>) target(%arg9 : memref<128x64xf32, #tpu.memory_space<vmem>>) offsets(%dma_start3A_217 : memref<128xi32, #tpu.memory_space<vmem>>) semaphore(%arg14 : memref<!tpu.dma_semaphore, #tpu.memory_space<semaphore_mem>>)
      } else {
      }
      %add3A_198 = arith.constant 1 : i32
      %add3A_199 = arith.addi %scan3A_71, %add3A_198 : i32
      %mul3A_200 = arith.constant 5 : i32
      %mul3A_201 = arith.muli %mul3A_200, %add3A_199 : i32
      %add3A_202 = arith.constant 4 : i32
      %add3A_203 = arith.addi %mul3A_201, %add3A_202 : i32
      %lt3A_204 = arith.constant 80 : i32
      %lt3A_205 = arith.cmpi slt, %add3A_203, %lt3A_204 : i32
      %convert_element_type3A_206 = arith.extui %lt3A_205 : i1 to i32
      %cond3A_207 = arith.constant 0 : i32
      %cond3A_208 = arith.cmpi ne, %convert_element_type3A_206, %cond3A_207 : i32
      scf.if %cond3A_208 {
        %dma_wait3A_209 = arith.constant 0 : i32
        %dma_wait3A_210 = arith.constant 0 : i32
        %dma_wait3A_211 = tpu.memref_slice %arg2[%dma_wait3A_209, %dma_wait3A_210] : memref<1000000x64xf32, #tpu.memory_space<hbm>> -> memref<128x64xf32, #tpu.memory_space<hbm>>
        %dma_wait3A_212 = arith.constant 0 : i32
        %dma_wait3A_213 = arith.constant 0 : i32
        %dma_wait3A_214 = tpu.memref_slice %arg2[%dma_wait3A_212, %dma_wait3A_213] : memref<1000000x64xf32, #tpu.memory_space<hbm>> -> memref<128x64xf32, #tpu.memory_space<hbm>>
        tpu.wait_dma2 semaphore(%arg20 : memref<!tpu.dma_semaphore, #tpu.memory_space<semaphore_mem>>) src(%dma_wait3A_214 : memref<128x64xf32, #tpu.memory_space<hbm>>) dst(%arg10 : memref<128x64xf32, #tpu.memory_space<vmem>>)
        %dma_start3A_215 = arith.constant 0 : i32
        %dma_start3A_216 = tpu.memref_slice %arg5[%add3A_203, %dma_start3A_215] : memref<80x128xi32, #tpu.memory_space<vmem>> -> memref<1x128xi32, #tpu.memory_space<vmem>>
        %dma_start3A_217 = tpu.memref_squeeze %dma_start3A_216 : memref<1x128xi32, #tpu.memory_space<vmem>> -> memref<128xi32, #tpu.memory_space<vmem>>
        %dma_start3A_218 = arith.constant 0 : i32
        %dma_start3A_219 = arith.constant 0 : i32
        %dma_start3A_220 = tpu.memref_slice %arg2[%dma_start3A_218, %dma_start3A_219] : memref<1000000x64xf32, #tpu.memory_space<hbm>> -> memref<1000000x64xf32, #tpu.memory_space<hbm>>
        tpu.enqueue_indirect_dma source(%dma_start3A_220 : memref<1000000x64xf32, #tpu.memory_space<hbm>>) target(%arg10 : memref<128x64xf32, #tpu.memory_space<vmem>>) offsets(%dma_start3A_217 : memref<128xi32, #tpu.memory_space<vmem>>) semaphore(%arg15 : memref<!tpu.dma_semaphore, #tpu.memory_space<semaphore_mem>>)
      } else {
      }
    }
    %scan3A_41 = arith.constant 16 : i32
    %dma_wait3A = arith.constant 0 : i32
    %dma_wait3A_42 = arith.constant 0 : i32
    %dma_wait3A_43 = tpu.memref_slice %arg2[%dma_wait3A, %dma_wait3A_42] : memref<1000000x64xf32, #tpu.memory_space<hbm>> -> memref<128x64xf32, #tpu.memory_space<hbm>>
    %dma_wait3A_44 = arith.constant 0 : i32
    %dma_wait3A_45 = arith.constant 0 : i32
    %dma_wait3A_46 = tpu.memref_slice %arg2[%dma_wait3A_44, %dma_wait3A_45] : memref<1000000x64xf32, #tpu.memory_space<hbm>> -> memref<128x64xf32, #tpu.memory_space<hbm>>
    tpu.wait_dma2 semaphore(%arg16 : memref<!tpu.dma_semaphore, #tpu.memory_space<semaphore_mem>>) src(%dma_wait3A_46 : memref<128x64xf32, #tpu.memory_space<hbm>>) dst(%arg6 : memref<128x64xf32, #tpu.memory_space<vmem>>)
    %dma_wait3A_47 = arith.constant 0 : i32
    %dma_wait3A_48 = arith.constant 0 : i32
    %dma_wait3A_49 = tpu.memref_slice %arg2[%dma_wait3A_47, %dma_wait3A_48] : memref<1000000x64xf32, #tpu.memory_space<hbm>> -> memref<128x64xf32, #tpu.memory_space<hbm>>
    %dma_wait3A_50 = arith.constant 0 : i32
    %dma_wait3A_51 = arith.constant 0 : i32
    %dma_wait3A_52 = tpu.memref_slice %arg2[%dma_wait3A_50, %dma_wait3A_51] : memref<1000000x64xf32, #tpu.memory_space<hbm>> -> memref<128x64xf32, #tpu.memory_space<hbm>>
    tpu.wait_dma2 semaphore(%arg17 : memref<!tpu.dma_semaphore, #tpu.memory_space<semaphore_mem>>) src(%dma_wait3A_52 : memref<128x64xf32, #tpu.memory_space<hbm>>) dst(%arg7 : memref<128x64xf32, #tpu.memory_space<vmem>>)
    %dma_wait3A_53 = arith.constant 0 : i32
    %dma_wait3A_54 = arith.constant 0 : i32
    %dma_wait3A_55 = tpu.memref_slice %arg2[%dma_wait3A_53, %dma_wait3A_54] : memref<1000000x64xf32, #tpu.memory_space<hbm>> -> memref<128x64xf32, #tpu.memory_space<hbm>>
    %dma_wait3A_56 = arith.constant 0 : i32
    %dma_wait3A_57 = arith.constant 0 : i32
    %dma_wait3A_58 = tpu.memref_slice %arg2[%dma_wait3A_56, %dma_wait3A_57] : memref<1000000x64xf32, #tpu.memory_space<hbm>> -> memref<128x64xf32, #tpu.memory_space<hbm>>
    tpu.wait_dma2 semaphore(%arg18 : memref<!tpu.dma_semaphore, #tpu.memory_space<semaphore_mem>>) src(%dma_wait3A_58 : memref<128x64xf32, #tpu.memory_space<hbm>>) dst(%arg8 : memref<128x64xf32, #tpu.memory_space<vmem>>)
    %dma_wait3A_59 = arith.constant 0 : i32
    %dma_wait3A_60 = arith.constant 0 : i32
    %dma_wait3A_61 = tpu.memref_slice %arg2[%dma_wait3A_59, %dma_wait3A_60] : memref<1000000x64xf32, #tpu.memory_space<hbm>> -> memref<128x64xf32, #tpu.memory_space<hbm>>
    %dma_wait3A_62 = arith.constant 0 : i32
    %dma_wait3A_63 = arith.constant 0 : i32
    %dma_wait3A_64 = tpu.memref_slice %arg2[%dma_wait3A_62, %dma_wait3A_63] : memref<1000000x64xf32, #tpu.memory_space<hbm>> -> memref<128x64xf32, #tpu.memory_space<hbm>>
    tpu.wait_dma2 semaphore(%arg19 : memref<!tpu.dma_semaphore, #tpu.memory_space<semaphore_mem>>) src(%dma_wait3A_64 : memref<128x64xf32, #tpu.memory_space<hbm>>) dst(%arg9 : memref<128x64xf32, #tpu.memory_space<vmem>>)
    %dma_wait3A_65 = arith.constant 0 : i32
    %dma_wait3A_66 = arith.constant 0 : i32
    %dma_wait3A_67 = tpu.memref_slice %arg2[%dma_wait3A_65, %dma_wait3A_66] : memref<1000000x64xf32, #tpu.memory_space<hbm>> -> memref<128x64xf32, #tpu.memory_space<hbm>>
    %dma_wait3A_68 = arith.constant 0 : i32
    %dma_wait3A_69 = arith.constant 0 : i32
    %dma_wait3A_70 = tpu.memref_slice %arg2[%dma_wait3A_68, %dma_wait3A_69] : memref<1000000x64xf32, #tpu.memory_space<hbm>> -> memref<128x64xf32, #tpu.memory_space<hbm>>
    tpu.wait_dma2 semaphore(%arg20 : memref<!tpu.dma_semaphore, #tpu.memory_space<semaphore_mem>>) src(%dma_wait3A_70 : memref<128x64xf32, #tpu.memory_space<hbm>>) dst(%arg10 : memref<128x64xf32, #tpu.memory_space<vmem>>)
    return
  }
}

</mosaic_0001>

<sc_bundles>
// kernel: kernel.3.cloned.1.call-start
scs
__scs_entry_jumppad:
0x0: {  	(pc) =	sbr.rel $0x88, $3  }
0x1: {  	(tag) =	ssettag $0x0;
	lr =	simm.s32 $0x1  }
0x2: {  	[smem:$0x3F9F] =	sst lr;
	_ =	strace $0xD0000000  }
0x3: {  	_ = 	snop  }
0x4: {  	_ = 	snop  }
0x5: {  	_ = 	snop  }
0x6: {  	_ = 	snop  }
0x7: {  	_ = 	snop  }
__scs_overlays_trampoline_lowered:
0x8: {  	[smem:$0x3FAE] =	sst s0  }
0x9: {  	[smem:$0x3FAF] =	sst s1  }
0xa: {  	[smem:$0x3FB0] =	sst s2  }
0xb: {  	[smem:$0x3FB1] =	sst s3  }
0xc: {  	[smem:$0x3FB2] =	sst s4  }
0xd: {  	[smem:$0x3FB3] =	sst s5  }
0xe: {  	[smem:$0x3FB4] =	sst s6  }
0xf: {  	[smem:$0x3FB5] =	sst s7  }
0x10: {  	[smem:$0x3FB6] =	sst s8  }
0x11: {  	[smem:$0x3FB7] =	sst s9;
	s0 =	simm.s32 @!p0 $0x0  }
0x12: {  	s1 =	sld [smem:$0x3F9D];
	s0 =	simm.s32 @p0 $0x1  }
0x13: {  	[smem:$0x3FB8] =	sst s0;
	s0 =	simm.s32 @!p1 $0x0  }
0x14: {  	s2 =	sld [smem:$0x3F9C];
	s0 =	simm.s32 @p1 $0x1  }
0x15: {  	[smem:$0x3FB9] =	sst s0;
	s0 =	simm.s32 @!p2 $0x0  }
0x16: {  	s3 =	sld [smem:$0x3FDB];
	s0 =	simm.s32 @p2 $0x1  }
0x17: {  	s4 =	simm.s32 $0x1BF5;
	[smem:$0x3FBB] =	sst s0  }
0x18: {  	s0 =	sld [smem:$0x3F9E];
	_ =	swait.ge [sflag:s4], $0x0  }
0x19: {  	s7 =	sld [smem:$0x3F9F]  }
0x1a: {  	s8 =	sadd.s32 $0xFFFFE003, lr  }
0x1b: {  	s9 =	sadd.s32 $0xFFFFFEF7, lr;
	s5 =	simm.s32 $0xFFFFFFFF;
	p2 =	slt.u32 s8, $0xFFFFF086  }
0x1c: {  	p1 =	slt.u32 s9, $0xF7A;
	s5 =	simm.s32 @!p2 $0x0  }
0x1d: {  	s5 =	simm.s32 @p1 $0x1;
	p0 =	seq.s32 s7, s2  }
0x1e: {  	s7 =	smul.u32 @!p0 $0xF7A, s2;
	p2 =	seq.s32 @!p0 s5, $0x0  }
0x1f: {  	s9 =	smul.u32 $0xF7A, s1;
	s8 =	simm.s32 @!p0 $0x1BF5;
	p2 =	por !p2, p0  }
0x20: {  	[sflag:s8] =	ssyncset.s32 @!p0 $0xFFFFF086;
	s6 =	sadd.s32 @!p0 s3, s7;
	s7 =	simm.s32 @!p0 $0x108  }
0x21: {  	s3 =	sadd.s32 s3, s9;
	s6 =	sadd.s32 @!p0 $0x88, s6;
	s7 =	simm.s32 @p2 $0x1082  }
0x22: {  	[simem:s7], [sflag:s8] =	dma.local @!p0 [hbm:s6], $0xF7A  }
0x23: {  	s9 =	sor.u32 $0xD0000000, s2;
	s6 =	simm.s32 $0x108;
	_ =	swait.ge @!p0 [sflag:s8], $0x0  }
0x24: {  	s3 =	sadd.s32 $0x88, s3;
	s6 =	simm.s32 @!p1 $0x1082;
	[sflag:s4] =	ssyncset.s32 $0xFFFFF086  }
0x25: {  	[simem:s6], [sflag:s4] =	dma.local [hbm:s3], $0xF7A  }
0x26: {  	[smem:$0x3F9F] =	sst s1;
	(tag) =	ssettag s2;
	_ =	strace s9  }
0x27: {  	s1 =	sld [smem:$0x3FAF]  }
0x28: {  	s2 =	sld [smem:$0x3FB0]  }
0x29: {  	s4 =	sld [smem:$0x3FB2]  }
0x2a: {  	p0 =	seq.s32 s5, $0x0;
	s5 =	sld [smem:$0x3FB3]  }
0x2b: {  	s6 =	sld [smem:$0x3FB4]  }
0x2c: {  	s7 =	sld [smem:$0x3FB5]  }
0x2d: {  	s3 =	simm.s32 $0x108;
	s8 =	sld [smem:$0x3FB6]  }
0x2e: {  	s3 =	simm.s32 @!p0 $0x1082;
	s9 =	sld [smem:$0x3FB7]  }
0x2f: {  	lr =	sadd.s32 s0, s3;
	s0 =	sld [smem:$0x3FAE]  }
0x30: {  	s3 =	sld [smem:$0x3FB1]  }
0x31: {  	[smem:$0x3FBA] =	sst s10  }
0x32: {  	s10 =	sld [smem:$0x3FB8];
	_ =	sdelay $0x3  }
0x33: {  	p0 =	seq.s32 s10, $0x1;
	s10 =	sld [smem:$0x3FBA];
	_ =	sdelay $0x3  }
0x34: {  	[smem:$0x3FBA] =	sst s10  }
0x35: {  	s10 =	sld [smem:$0x3FB9];
	_ =	sdelay $0x3  }
0x36: {  	p1 =	seq.s32 s10, $0x1;
	s10 =	sld [smem:$0x3FBA];
	_ =	sdelay $0x3  }
0x37: {  	[smem:$0x3FBA] =	sst s10  }
0x38: {  	s10 =	sld [smem:$0x3FBB]  }
0x39: {  	_ = 	snop;
	(pc) =	sbr.ind lr, $3  }
0x3a: {  	_ = 	snop  }
0x3b: {  	_ = 	snop  }
0x3c: {  	p2 =	seq.s32 s10, $0x1;
	s10 =	sld [smem:$0x3FBA]  }
0x3d: {  	_ =	shalt  }
0x3e: {  	_ =	shalt  }
0x3f: {  	_ =	shalt  }
0x40: {  	_ =	shalt  }
0x41: {  	_ =	shalt  }
0x42: {  	_ =	shalt  }
0x43: {  	_ =	shalt  }
0x44: {  	_ =	shalt  }
0x45: {  	_ =	shalt  }
0x46: {  	_ =	shalt  }
0x47: {  	_ =	shalt  }
0x48: {  	_ =	shalt  }
0x49: {  	_ =	shalt  }
0x4a: {  	_ =	shalt  }
0x4b: {  	_ =	shalt  }
0x4c: {  	_ =	shalt  }
0x4d: {  	_ =	shalt  }
0x4e: {  	_ =	shalt  }
0x4f: {  	_ =	shalt  }
0x50: {  	_ =	shalt  }
0x51: {  	_ =	shalt  }
0x52: {  	_ =	shalt  }
0x53: {  	_ =	shalt  }
0x54: {  	_ =	shalt  }
0x55: {  	_ =	shalt  }
0x56: {  	_ =	shalt  }
0x57: {  	_ =	shalt  }
0x58: {  	_ =	shalt  }
0x59: {  	_ =	shalt  }
0x5a: {  	_ =	shalt  }
0x5b: {  	_ =	shalt  }
0x5c: {  	_ =	shalt  }
0x5d: {  	_ =	shalt  }
0x5e: {  	_ =	shalt  }
0x5f: {  	_ =	shalt  }
0x60: {  	_ =	shalt  }
0x61: {  	_ =	shalt  }
0x62: {  	_ =	shalt  }
0x63: {  	_ =	shalt  }
0x64: {  	_ =	shalt  }
0x65: {  	_ =	shalt  }
0x66: {  	_ =	shalt  }
0x67: {  	_ =	shalt  }
0x68: {  	_ =	shalt  }
0x69: {  	_ =	shalt  }
0x6a: {  	_ =	shalt  }
0x6b: {  	_ =	shalt  }
0x6c: {  	_ =	shalt  }
0x6d: {  	_ =	shalt  }
0x6e: {  	_ =	shalt  }
0x6f: {  	_ =	shalt  }
0x70: {  	_ =	shalt  }
0x71: {  	_ =	shalt  }
0x72: {  	_ =	shalt  }
0x73: {  	_ =	shalt  }
0x74: {  	_ =	shalt  }
0x75: {  	_ =	shalt  }
0x76: {  	_ =	shalt  }
0x77: {  	_ =	shalt  }
0x78: {  	_ =	shalt  }
0x79: {  	_ =	shalt  }
0x7a: {  	_ =	shalt  }
0x7b: {  	_ =	shalt  }
0x7c: {  	_ =	shalt  }
0x7d: {  	_ =	shalt  }
0x7e: {  	_ =	shalt  }
0x7f: {  	_ =	shalt  }
0x80: {  	_ =	shalt  }
0x81: {  	_ =	shalt  }
0x82: {  	_ =	shalt  }
0x83: {  	_ =	shalt  }
0x84: {  	_ =	shalt  }
0x85: {  	_ =	shalt  }
0x86: {  	_ =	shalt  }
0x87: {  	_ =	shalt  }
.Lfunc_end0:
.L_simem_size_0:
called_computation.1_lowered:
.L_overlay_start_0:
0x88: {  	s2 =	sld [smem:$0x3FD9]  }
0x89: {  	s3 =	sld [smem:$0x3FFE];
	_ =	sdelay $0x1  }
0x8a: {  	s1 =	srdreg.scid  }
0x8b: {  	s0 =	sand.u32 $0x1, s1  }
0x8c: {  	s17 =	sshll.u32 s0, $0xA;
	s2 =	sadd.s32 s3, s2  }
0x8d: {  	s2 =	sadd.s32 s2, s17  }
0x8e: {  	[smem:$0x3FC6] =	sst s2  }
0x8f: {  	_ = 	snop  }
0x90: {  	s2 =	sld [smem:$0x3FD0];
	(tm) =	ssettm $0x1  }
0x91: {  	s18 =	sld [smem:$0x3FFB];
	_ =	sdelay $0x3  }
0x92: {  	_ =	strace s18  }
0x93: {  	s3 =	sld [smem:$0x3FFC];
	_ =	sdelay $0x3  }
0x94: {  	_ =	strace s3  }
0x95: {  	s3 =	sld [smem:$0x3FFD];
	_ =	sdelay $0x3  }
0x96: {  	_ =	strace s3  }
0x97: {  	_ =	strace $0x8FFFFFFF  }
0x98: {  	s19 =	sld [smem:$0x3FDB];
	_ =	sdelay $0x1  }
0x99: {  	s4 =	simm.s32 $_scs_section_size  }
0x9a: {  	s5 =	simm.s32 $_size__tile_overlayer_lowered;
	s6 =	simm.s32 $_tile_overlayer_lowered  }
0x9b: {  	s22 =	simm.s32 $0x1BFF;
	s21 =	sshll.u32 s6, $0x1;
	s3 =	sadd.s32 s4, s19  }
0x9c: {  	s7 =	simm.s32 $0x0;
	s20 =	sshll.u32 s5, $0x1;
	s5 =	sadd.s32 s21, s3  }
0x9d: {  	[timem:s7], [sflag:s22] =	dma.local [hbm:s5], s20  }
0x9e: {  	_ =	swait.ge [sflag:s22], s20  }
0x9f: {  	s4 =	ssub.s32 $0x0, s20;
	[sflag:s22] =	ssyncset.done $0x0  }
0xa0: {  	[sflag:s22] =	ssyncadd.s32 s4;
	_ =	sdelay $0x1  }
0xa1: {  	s23 =	simm.s32 $0x1B8B  }
0xa2: {  	_ =	swait.ge [sflag:s23], $0x1  }
0xa3: {  	[sflag:s23] =	ssyncset.done $0x0  }
0xa4: {  	s25 =	simm.s32 $0x1B8E;
	s24 =	sld [smem:$0x3FFE];
	[sflag:s23] =	ssyncadd.s32 $0xFFFFFFFF  }
0xa5: {  	s26 =	simm.s32 $execute0_lowered;
	[smem:$0x3FD2] =	sst s25  }
0xa6: {  	s5 =	sshll.u32 s26, $0x1;
	_ =	strace $0x80000046;
	[dreg:$0x1] =	wrdreg $0xFFFFFFFF  }
0xa7: {  	s28 =	simm.s32 $_size_execute0_lowered;
	s3 =	sadd.s32 s3, s5;
	[dreg:$0x0] =	wrdreg $0x0  }
0xa8: {  	s5 =	sshll.u32 s28, $0x1;
	[dreg:$0x2] =	wrdreg s3  }
0xa9: {  	[dreg:$0x3] =	wrdreg s5  }
0xaa: {  	[dreg:$0x4] =	wrdreg $0xC0  }
0xab: {  	_ =	task [dreg:s7], $0x5FFFF  }
0xac: {  	[dreg:$0x1] =	wrdreg $0xFFFFFFFF  }
0xad: {  	[dreg:$0x0] =	wrdreg $0x60  }
0xae: {  	[dreg:$0x2] =	wrdreg s24  }
0xaf: {  	[dreg:$0x3] =	wrdreg s2  }
0xb0: {  	[dreg:$0x4] =	wrdreg $0x9  }
0xb1: {  	_ =	task.clear_ibuf [dreg:s7], $0x5FFFF;
	_ =	strace $0x90000046  }
0xb2: {  	s29 =	simm.s32 $0x9;
	_ =	strace $0x80000048  }
0xb3: {  	_ =	swait.ge [sflag:s29], $0x1  }
0xb4: {  	[sflag:s29] =	ssyncadd.s32 $0xFFFFFFFF  }
0xb5: {  	_ =	strace $0x90000048  }
0xb6: {  	_ =	sfence  }
0xb7: {  	s30 =	sld [smem:$0x0];
	_ =	sdelay $0x2  }
0xb8: {  	s31 =	sshll.u32 s1, $0xD;
	s1 =	sshrl.u32 s1, $0x2  }
0xb9: {  	s3 =	sand.u32 $0x4000, s31;
	s1 =	sadd.s32 s1, s30  }
0xba: {  	s0 =	sor.u32 s3, s0;
	s1 =	sshll.u32 s1, $0x11  }
0xbb: {  	s0 =	sor.u32 s1, s0  }
0xbc: {  	s0 =	sadd.s32 $0x8F2B, s0  }
0xbd: {  	[sflag:s0] =	ssyncadd.remote.s32 $0x1  }
0xbe: {  	_ =	sfence.sel $0xFFFF  }
0xbf: {  	[dreg:$0x0] =	wrdreg $0xFFFFFFFF;
	(pc) =	sbr.abs _section_cstart, $3  }
0xc0: {  	[dreg:$0x1] =	wrdreg $0xFFFFFFFF  }
0xc1: {  	_ =	task.clear_ibuf [dreg:s7], $0x2FFFF;
	_ =	strace $0x9FFFFFFF  }
0xc2: {  	(tm) =	ssettm $0x7FFFFFFF  }
0xc3: {  	_ =	shalt  }
tec
execute0_lowered:
.L_overlay_start_1:
0x0: {  	(tag) =	ssettag $0x1  }
0x1: {  	s0 =	srdreg.scid;
	s1 =	rddreg [dreg:$0x0]  }
0x2: {  	s10 =	stileid.u32;
	s5 =	rddreg [dreg:$0x1];
	s11 =	simm.s32 $0xB  }
0x3: {  	s12 =	simm.s32 $0x80;
	s13 =	simm.s32 $0x2800;
	s14 =	simm.s32 $0x4800  }
0x4: {  	s16 =	simm.s32 $0x6800;
	s18 =	simm.s32 $0x8800;
	s20 =	simm.s32 $0xA800  }
0x5: {  	s28 =	simm.s32 $0x7;
	s29 =	simm.s32 $0x8;
	s6 =	smul.u32 $0x5000, s10  }
0x6: {  	s0 =	sand.u32 $0x1, s0;
	s2 =	sshll.u32 s10, $0x1;
	s23 =	smul.u32 $0x28000, s10  }
0x7: {  	s30 =	simm.s32 $0x9;
	s3 =	sor.u32 s0, s2;
	s8 =	smul.u32 $0x2800, s0  }
0x8: {  	s31 =	simm.s32 $0xA;
	s2 =	simm.s32 $0x0;
	s4 =	smul.u32 $0x2800, s3  }
0x9: {  	s7 =	ssub.s32 $0x2, s0;
	s0 =	smul.u32 $0x14000, s0;
	[smem:$0x7FF] =	sst s2  }
0xa: {  	s3 =	sadd.s32 $0xF42E00, s1;
	s9 =	sshrl.u32 s7, $0x1;
	s4 =	sshrl.u32 s4, $0x3  }
0xb: {  	_ =	strace $0x80000047;
	s6 =	sadd.s32 s8, s6;
	s1 =	sadd.s32 s4, s1  }
0xc: {  	s21 =	ssub.s32 s7, s9;
	s22 =	sshll.u32 s6, $0x3;
	s1 =	sadd.s32 $0xA00, s1  }
0xd: {  	s4 =	smax.u32 s21, $0x1;
	[dreg:$0x3] =	wrdreg s1;
	s1 =	sadd.s32 s22, s5  }
0xe: {  	s21 =	simm.s32 $0x1;
	[dreg:$0x4] =	wrdreg s4;
	s24 =	sadd.s32 $0x1000, s1  }
0xf: {  	s5 =	sadd.s32 s23, s5;
	s25 =	sadd.s32 $0xC00, s1;
	[dreg:$0x5] =	wrdreg s24  }
0x10: {  	s22 =	simm.s32 $0x2;
	s26 =	sadd.s32 $0x800, s1;
	[dreg:$0x6] =	wrdreg s25  }
0x11: {  	s23 =	simm.s32 $0x3;
	s1 =	sadd.s32 $0x400, s1;
	[dreg:$0x7] =	wrdreg s26  }
0x12: {  	s0 =	sadd.s32 s0, s5;
	[dreg:$0x8] =	wrdreg s1;
	s24 =	simm.s32 $0x4  }
0x13: {  	s25 =	simm.s32 $0x5;
	s26 =	simm.s32 $0x6;
	s1 =	simm.s32 $0x0  }
.LBB2_1:
0x14: {  	s4 =	rddreg [dreg:$0x3]  }
0x15: {  	[tilespmem:s2], [sflag:$0xB] =	stream.linear.gather [hbm4b:s4+s2], $0x2800, $0x38;
	[tilespmem:$0xC800] =	vst v63  }
0x16: {  	_ =	swait.ge [sflag:s11], $0x2800  }
0x17: {  	[sflag:s11] =	ssyncset.done $0x0  }
0x18: {  	[sflag:s11] =	ssyncadd.s32 $0xFFFFD800  }
0x19: {  	[tilespmem:s13], [sflag:$0x1] =	stream.indirect.gather [hbm4b:s3+s12], $0x40, s2, s12, $0xb8;
	[tilespmem:$0xC800] =	vst v63  }
0x1a: {  	s9 =	rddreg [dreg:$0x8]  }
0x1b: {  	[tilespmem:s14], [sflag:$0x2] =	stream.indirect.gather [hbm4b:s3+s12], $0x40, s12, s12, $0xb8;
	[tilespmem:$0xC800] =	vst v63  }
0x1c: {  	s15 =	simm.s32 $0x100;
	s8 =	rddreg [dreg:$0x7]  }
0x1d: {  	[tilespmem:s16], [sflag:$0x3] =	stream.indirect.gather [hbm4b:s3+s12], $0x40, s15, s12, $0xb8;
	[tilespmem:$0xC800] =	vst v63  }
0x1e: {  	s17 =	simm.s32 $0x180;
	s19 =	simm.s32 $0x200;
	s7 =	rddreg [dreg:$0x6]  }
0x1f: {  	[tilespmem:s18], [sflag:$0x4] =	stream.indirect.gather [hbm4b:s3+s12], $0x40, s17, s12, $0xb8;
	[tilespmem:$0xC800] =	vst v63  }
0x20: {  	s10 =	smov.u32 s0;
	s5 =	simm.s32 $0x0;
	s6 =	rddreg [dreg:$0x5]  }
0x21: {  	[tilespmem:s20], [sflag:$0x5] =	stream.indirect.gather [hbm4b:s3+s12], $0x40, s19, s12, $0xb8;
	[tilespmem:$0xC800] =	vst v63  }
.LBB2_2:
0x22: {  	_ =	swait.ge [sflag:s21], $0x2000  }
0x23: {  	[sflag:s21] =	ssyncset.done $0x0  }
0x24: {  	[sflag:s21] =	ssyncadd.s32 $0xFFFFE000  }
0x25: {  	[hbm4b:s10+s2] =	stream.linear.scatter [tilespmem:s13], [sflag:$0x6], $0x2000, $0x38;
	[tilespmem:$0xC800] =	vst v63  }
0x26: {  	_ =	swait.ge [sflag:s22], $0x2000  }
0x27: {  	[sflag:s22] =	ssyncset.done $0x0  }
0x28: {  	[sflag:s22] =	ssyncadd.s32 $0xFFFFE000  }
0x29: {  	[hbm4b:s9+s2] =	stream.linear.scatter [tilespmem:s14], [sflag:$0x7], $0x2000, $0x38;
	[tilespmem:$0xC800] =	vst v63  }
0x2a: {  	_ =	swait.ge [sflag:s23], $0x2000  }
0x2b: {  	[sflag:s23] =	ssyncset.done $0x0  }
0x2c: {  	[sflag:s23] =	ssyncadd.s32 $0xFFFFE000  }
0x2d: {  	[hbm4b:s8+s2] =	stream.linear.scatter [tilespmem:s16], [sflag:$0x8], $0x2000, $0x38;
	[tilespmem:$0xC800] =	vst v63  }
0x2e: {  	_ =	swait.ge [sflag:s24], $0x2000  }
0x2f: {  	[sflag:s24] =	ssyncset.done $0x0  }
0x30: {  	[sflag:s24] =	ssyncadd.s32 $0xFFFFE000  }
0x31: {  	[hbm4b:s7+s2] =	stream.linear.scatter [tilespmem:s18], [sflag:$0x9], $0x2000, $0x38;
	[tilespmem:$0xC800] =	vst v63  }
0x32: {  	_ =	swait.ge [sflag:s25], $0x2000  }
0x33: {  	p0 =	seq.s32 s5, $0x9600;
	[sflag:s25] =	ssyncset.done $0x0  }
0x34: {  	s4 =	simm.s32 @!p0 $0x6;
	[sflag:s25] =	ssyncadd.s32 $0xFFFFE000  }
0x35: {  	[hbm4b:s6+s2] =	stream.linear.scatter [tilespmem:s20], [sflag:$0xA], $0x2000, $0x38;
	[tilespmem:$0xC800] =	vst v63  }
0x36: {  	_ =	swait.ge @!p0 [sflag:s4], $0x2000  }
0x37: {  	[sflag:s4] =	ssyncset.done @!p0 $0x0  }
0x38: {  	[sflag:s4] =	ssyncadd.s32 @!p0 $0xFFFFE000;
	s4 =	sshra.s32 @!p0 s5, $0x2  }
0x39: {  	s17 =	simm.s32 @!p0 $0x80;
	s15 =	simm.s32 @!p0 $0x2800;
	s19 =	sadd.s32 @!p0 $0x280, s4  }
0x3a: {  	[tilespmem:s15], [sflag:$0x1] =	stream.indirect.gather @!p0 [hbm4b:s3+s17], $0x40, s19, s17, $0xb8;
	[tilespmem:$0xC800] =	vst v63  }
0x3b: {  	s15 =	simm.s32 @!p0 $0x7  }
0x3c: {  	_ =	swait.ge @!p0 [sflag:s15], $0x2000  }
0x3d: {  	[sflag:s15] =	ssyncset.done @!p0 $0x0  }
0x3e: {  	s19 =	simm.s32 @!p0 $0x4800;
	[sflag:s15] =	ssyncadd.s32 @!p0 $0xFFFFE000;
	s15 =	sadd.s32 @!p0 $0x300, s4  }
0x3f: {  	[tilespmem:s19], [sflag:$0x2] =	stream.indirect.gather @!p0 [hbm4b:s3+s17], $0x40, s15, s17, $0xb8;
	[tilespmem:$0xC800] =	vst v63  }
0x40: {  	s15 =	simm.s32 @!p0 $0x8  }
0x41: {  	_ =	swait.ge @!p0 [sflag:s15], $0x2000  }
0x42: {  	[sflag:s15] =	ssyncset.done @!p0 $0x0  }
0x43: {  	s19 =	simm.s32 @!p0 $0x6800;
	[sflag:s15] =	ssyncadd.s32 @!p0 $0xFFFFE000;
	s15 =	sadd.s32 @!p0 $0x380, s4  }
0x44: {  	[tilespmem:s19], [sflag:$0x3] =	stream.indirect.gather @!p0 [hbm4b:s3+s17], $0x40, s15, s17, $0xb8;
	[tilespmem:$0xC800] =	vst v63  }
0x45: {  	s5 =	sadd.s32 @!p0 $0xA00, s5;
	s15 =	simm.s32 @!p0 $0x9  }
0x46: {  	p1 =	sne.s32 @!p0 s5, $0xA000;
	_ =	swait.ge @!p0 [sflag:s15], $0x2000  }
0x47: {  	p1 =	por p0, !p1;
	[sflag:s15] =	ssyncset.done @!p0 $0x0  }
0x48: {  	s19 =	simm.s32 @!p0 $0x8800;
	[sflag:s15] =	ssyncadd.s32 @!p0 $0xFFFFE000;
	s15 =	sadd.s32 @!p0 $0x400, s4  }
0x49: {  	[tilespmem:s19], [sflag:$0x4] =	stream.indirect.gather @!p0 [hbm4b:s3+s17], $0x40, s15, s17, $0xb8;
	[tilespmem:$0xC800] =	vst v63  }
.Ltmp0:
0x4a: {  	s10 =	sadd.s32 @!p0 $0x1400, s10;
	s15 =	simm.s32 @!p0 $0xA;
	(pc) =	sbr.rel @!p1 .LBB2_2-.Ltmp0, $4  }
0x4b: {  	s9 =	sadd.s32 @!p0 $0x1400, s9;
	s8 =	sadd.s32 @!p0 $0x1400, s8;
	_ =	swait.ge @!p0 [sflag:s15], $0x2000  }
0x4c: {  	s7 =	sadd.s32 @!p0 $0x1400, s7;
	s6 =	sadd.s32 @!p0 $0x1400, s6;
	[sflag:s15] =	ssyncset.done @!p0 $0x0  }
0x4d: {  	s4 =	sadd.s32 @!p0 $0x480, s4;
	[sflag:s15] =	ssyncadd.s32 @!p0 $0xFFFFE000;
	s15 =	simm.s32 @!p0 $0xA800  }
0x4e: {  	[tilespmem:s15], [sflag:$0x5] =	stream.indirect.gather @!p0 [hbm4b:s3+s17], $0x40, s4, s17, $0xb8;
	[tilespmem:$0xC800] =	vst v63  }
0x4f: {  	_ =	swait.ge [sflag:s26], $0x2000  }
0x50: {  	[sflag:s26] =	ssyncset.done $0x0  }
0x51: {  	[sflag:s26] =	ssyncadd.s32 $0xFFFFE000  }
0x52: {  	_ =	swait.ge [sflag:s28], $0x2000  }
0x53: {  	[sflag:s28] =	ssyncset.done $0x0  }
0x54: {  	[sflag:s28] =	ssyncadd.s32 $0xFFFFE000  }
0x55: {  	_ =	swait.ge [sflag:s29], $0x2000  }
0x56: {  	[sflag:s29] =	ssyncset.done $0x0  }
0x57: {  	[sflag:s29] =	ssyncadd.s32 $0xFFFFE000  }
0x58: {  	_ =	swait.ge [sflag:s30], $0x2000  }
0x59: {  	[sflag:s30] =	ssyncset.done $0x0  }
0x5a: {  	[sflag:s30] =	ssyncadd.s32 $0xFFFFE000  }
0x5b: {  	_ =	swait.ge [sflag:s31], $0x2000  }
0x5c: {  	s1 =	sadd.s32 $0x1, s1;
	s4 =	rddreg [dreg:$0x4]  }
0x5d: {  	p0 =	sne.s32 s1, s4  }
.Ltmp1:
0x5e: {  	_ = 	snop;
	(pc) =	sbr.rel @p0 .LBB2_1-.Ltmp1, $3  }
0x5f: {  	_ =	sdelay $0x1  }
0x60: {  	[sflag:s31] =	ssyncset.done $0x0  }
0x61: {  	[sflag:s31] =	ssyncadd.s32 $0xFFFFE000  }
0x62: {  	_ =	sfence.sel $0x180000  }
0x63: {  	[bflag:$0x0] =	sbarrier.arrive $0xFFFF  }
0x64: {  	_ =	strace $0x90000047  }
0x65: {  	s0 =	stileid.u32;
	[bflag:$0x2] =	sbarrier.arrive $0xFFFF  }
0x66: {  	p0 =	sne.s32 s0, $0x0;
	s0 =	rddreg [dreg:$0x2]  }
0x67: {  	s0 =	sadd.s32 @!p0 $0x100000, s0  }
0x68: {  	[sflag:s0] =	ssyncadd.tile.s32 @!p0 $0x1;
	_ =	shalt  }
.Lfunc_end2:
_tile_overlayer_lowered:
.L_overlay_start_2:
0x69: {  	(tag) =	ssettag $0x2  }
0x6a: {  	s0 =	rddreg [dreg:$0x0];
	s2 =	stileid.u32  }
0x6b: {  	s1 =	rddreg [dreg:$0x1];
	p0 =	sne.s32 s2, $0x0  }
0x6c: {  	s3 =	rddreg [dreg:$0x2];
	[bflag:$0x3] =	sbarrier.arrive $0xFFFF;
	s2 =	simm.s32 @!p0 $0x1C0B  }
0x6d: {  	[timem:s3], [sflag:s2] =	dma.local @!p0 [hbm:s0], s1  }
0x6e: {  	s0 =	simm.s32 @!p0 $0xB  }
0x6f: {  	_ =	swait.ge @!p0 [sflag:s0], s1  }
0x70: {  	s1 =	ssub.s32 @!p0 $0x0, s1;
	[sflag:s0] =	ssyncset.done @!p0 $0x0  }
0x71: {  	[sflag:s0] =	ssyncadd.s32 @!p0 s1  }
0x72: {  	[bflag:$0x3] =	sbarrier.arrive $0xFFFF  }
0x73: {  	_ =	shalt  }

// kernel: sparse-core-data-format-call.cloned.1.call-start
scs
called_computation_lowered:
.L_overlay_start_0:
0x0: {  	s2 =	sld [smem:$0x3FD9]  }
0x1: {  	s3 =	sld [smem:$0x3FFE];
	_ =	sdelay $0x1  }
0x2: {  	s1 =	srdreg.scid  }
0x3: {  	s0 =	sand.u32 $0x1, s1  }
0x4: {  	s18 =	sshll.u32 s0, $0xA;
	s2 =	sadd.s32 s3, s2  }
0x5: {  	s2 =	sadd.s32 s2, s18  }
0x6: {  	[smem:$0x3FC6] =	sst s2  }
0x7: {  	_ = 	snop  }
0x8: {  	s2 =	sld [smem:$0x3FD0];
	(tm) =	ssettm $0x1  }
0x9: {  	s19 =	sld [smem:$0x3FFB];
	_ =	sdelay $0x3  }
0xa: {  	_ =	strace s19  }
0xb: {  	s3 =	sld [smem:$0x3FFC];
	_ =	sdelay $0x3  }
0xc: {  	_ =	strace s3  }
0xd: {  	s3 =	sld [smem:$0x3FFD];
	_ =	sdelay $0x3  }
0xe: {  	_ =	strace s3  }
0xf: {  	_ =	strace $0x8FFFFFFF  }
0x10: {  	s20 =	sld [smem:$0x3FDB];
	_ =	sdelay $0x1  }
0x11: {  	s4 =	simm.s32 $_scs_section_size  }
0x12: {  	s5 =	simm.s32 $_size__tile_overlayer_lowered;
	s6 =	simm.s32 $_tile_overlayer_lowered  }
0x13: {  	s23 =	simm.s32 $0x1BFF;
	s22 =	sshll.u32 s6, $0x1;
	s3 =	sadd.s32 s4, s20  }
0x14: {  	s7 =	simm.s32 $0x0;
	s21 =	sshll.u32 s5, $0x1;
	s5 =	sadd.s32 s22, s3  }
0x15: {  	[timem:s7], [sflag:s23] =	dma.local [hbm:s5], s21  }
0x16: {  	_ =	swait.ge [sflag:s23], s21  }
0x17: {  	s4 =	ssub.s32 $0x0, s21;
	[sflag:s23] =	ssyncset.done $0x0  }
0x18: {  	[sflag:s23] =	ssyncadd.s32 s4;
	_ =	sdelay $0x1  }
0x19: {  	s24 =	simm.s32 $0x1B8B  }
0x1a: {  	_ =	swait.ge [sflag:s24], $0x1  }
0x1b: {  	[sflag:s24] =	ssyncset.done $0x0  }
0x1c: {  	s26 =	simm.s32 $0x1B8E;
	s25 =	sld [smem:$0x3FFE];
	[sflag:s24] =	ssyncadd.s32 $0xFFFFFFFF  }
0x1d: {  	s27 =	simm.s32 $execute0_lowered;
	[smem:$0x3FD2] =	sst s26  }
0x1e: {  	s5 =	sshll.u32 s27, $0x1;
	_ =	strace $0x80000049;
	[dreg:$0x1] =	wrdreg $0xFFFFFFFF  }
0x1f: {  	s28 =	simm.s32 $_size_execute0_lowered;
	s3 =	sadd.s32 s3, s5;
	[dreg:$0x0] =	wrdreg $0x0  }
0x20: {  	s5 =	sshll.u32 s28, $0x1;
	[dreg:$0x2] =	wrdreg s3  }
0x21: {  	[dreg:$0x3] =	wrdreg s5  }
0x22: {  	[dreg:$0x4] =	wrdreg $0xC0  }
0x23: {  	_ =	task [dreg:s7], $0x5FFFF  }
0x24: {  	[dreg:$0x1] =	wrdreg $0xFFFFFFFF  }
0x25: {  	[dreg:$0x0] =	wrdreg $0x60  }
0x26: {  	[dreg:$0x2] =	wrdreg s25  }
0x27: {  	[dreg:$0x3] =	wrdreg s2  }
0x28: {  	[dreg:$0x4] =	wrdreg $0x9  }
0x29: {  	_ =	task.clear_ibuf [dreg:s7], $0x5FFFF;
	_ =	strace $0x90000049  }
0x2a: {  	s29 =	simm.s32 $0x9;
	_ =	strace $0x8000004B  }
0x2b: {  	_ =	swait.ge [sflag:s29], $0x1  }
0x2c: {  	[sflag:s29] =	ssyncadd.s32 $0xFFFFFFFF  }
0x2d: {  	_ =	strace $0x9000004B  }
0x2e: {  	_ =	sfence  }
0x2f: {  	s30 =	sld [smem:$0x0];
	_ =	sdelay $0x2  }
0x30: {  	s31 =	sshll.u32 s1, $0xD;
	s1 =	sshrl.u32 s1, $0x2  }
0x31: {  	s3 =	sand.u32 $0x4000, s31;
	s1 =	sadd.s32 s1, s30  }
0x32: {  	s0 =	sor.u32 s3, s0;
	s1 =	sshll.u32 s1, $0x11  }
0x33: {  	s0 =	sor.u32 s1, s0  }
0x34: {  	s0 =	sadd.s32 $0x8F2B, s0  }
0x35: {  	[sflag:s0] =	ssyncadd.remote.s32 $0x1  }
0x36: {  	_ =	sfence.sel $0xFFFF  }
0x37: {  	[dreg:$0x0] =	wrdreg $0xFFFFFFFF;
	(pc) =	sbr.abs _section_cstart, $3  }
0x38: {  	[dreg:$0x1] =	wrdreg $0xFFFFFFFF  }
0x39: {  	_ =	task.clear_ibuf [dreg:s7], $0x2FFFF;
	_ =	strace $0x9FFFFFFF  }
0x3a: {  	(tm) =	ssettm $0x7FFFFFFF  }
0x3b: {  	_ =	shalt  }
tec
execute0_lowered:
.L_overlay_start_1:
0x0: {  	(tag) =	ssettag $0x1  }
0x1: {  	s0 =	srdreg.scid  }
0x2: {  	s1 =	sshll.u32 s0, $0x4  }
0x3: {  	s0 =	stileid.u32;
	s1 =	sand.u32 $0x10, s1  }
0x4: {  	s1 =	sor.u32 s0, s1  }
0x5: {  	s6 =	rddreg [dreg:$0x0];
	s4 =	simm.s32 $0x1;
	s2 =	sshll.u32 s1, $0x7  }
0x6: {  	s7 =	simm.s32 $0x2;
	s12 =	simm.s32 $0x0;
	s1 =	ssub.s32 $0x4000, s2  }
0x7: {  	s8 =	simm.s32 $0x20000;
	s13 =	simm.s32 $0x0;
	s3 =	sand.u32 $0xF80, s1  }
0x8: {  	s9 =	simm.s32 $0x0;
	s5 =	sshrl.u32 s1, $0xC;
	p0 =	sne.s32 s3, $0x0  }
.Ltmp0:
0x9: {  	s1 =	rddreg [dreg:$0x2];
	s4 =	simm.s32 @!p0 $0x0;
	(pc) =	sbr.rel .LBB1_1-.Ltmp0, $4  }
0xa: {  	s11 =	simm.s32 $0x0;
	s3 =	rddreg [dreg:$0x1];
	s5 =	sadd.s32 s4, s5  }
0xb: {  	_ =	strace $0x8000004A;
	s4 =	simm.s32 $0x1;
	s5 =	smul.u32 $0x14, s5  }
0xc: {  	s6 =	sadd.s32 $0xA00, s6;
	s10 =	smov.u32 s2;
	[sflag:s4] =	ssyncpa.u1 $0x0  }
0xd: {  	p0 =	por $0x0, $0x0;
	[sflag:s7] =	ssyncpa.u1 $0x0;
	s7 =	sor.u32 $0x1, s5  }
.LBB1_4:
0xe: {  	s16 =	sshll.u32 s13, $0x3;
	s17 =	sand.u32 $0x78, s13  }
0xf: {  	s30 =	sand.u32 $0x1F800, s13;
	s12 =	sshll.u32 s12, $0x11;
	s16 =	sand.u32 $0x3C00, s16  }
0x10: {  	[tilespmem:s15+$0x810 ss:$0x81] =	vst.msk $0xffff, v2;
	s31 =	sand.u32 $0x7, s13;
	s16 =	sor.u32 s17, s16;
	s17 =	sadd.s32 s3, s30  }
0x11: {  	[tilespmem:s15+$0x1020 ss:$0x81] =	vst.msk $0xffff, v0;
	s13 =	sshll.u32 s31, $0x12;
	s12 =	sadd.s32 s12, s17;
	s16 =	sshrl.u32 s16, $0x3  }
0x12: {  	[tilespmem:s15+$0x0 ss:$0x81] =	vst.msk $0xffff, v1;
	s13 =	sor.u32 $0x400, s13;
	s12 =	sadd.s32 s16, s12  }
0x13: {  	[hbm4b:s12+s13] =	stream.strided.scatter [tilespmem:s14], [sflag:$0x2], $0x2000, s8, s13, $0x20;
	[tilespmem:$0x8080] =	vst v63  }
.LBB1_5:
0x14: {  	s14 =	sadd.s32 $0x1, s9  }
0x15: {  	s12 =	sadd.s32 $0x1000, s10;
	s16 =	smov.u32 s10;
	p2 =	sgt.s32 s14, $0x13  }
0x16: {  	s16 =	smov.u32 @p2 s12  }
0x17: {  	s14 =	simm.s32 @p2 $0x0;
	p2 =	sgt.s32 s16, $0x3FFF  }
0x18: {  	s16 =	smov.u32 @p2 s2;
	p2 =	sne.s32 s11, s7  }
.Ltmp1:
0x19: {  	p1 =	slt.u32 s11, $0x2;
	(pc) =	sbr.rel @!p2 .LBB1_6-.Ltmp1, $4  }
0x1a: {  	s15 =	simm.s32 @!p1 $0x2  }
0x1b: {  	s13 =	smov.u32 s10;
	p0 =	por !p0, !p0;
	_ =	swait.ge @!p1 [sflag:s15], $0x2000  }
0x1c: {  	s12 =	smov.u32 s9;
	[sflag:s15] =	ssyncset.done @!p1 $0x0;
	s9 =	smov.u32 s14  }
0x1d: {  	s11 =	sadd.s32 $0x1, s11;
	[sflag:s15] =	ssyncadd.s32 @!p1 $0xFFFFE000;
	s10 =	smov.u32 s16  }
.LBB1_1:
0x1e: {  	p1 =	sge.u32 s11, s5  }
0x1f: {  	s14 =	sand.u32 @!p1 $0x1FFFFFF, s9  }
0x20: {  	s15 =	smulhi.u32 @!p1 $0xAAAAAAB, s14;
	_ =	sdelay $0x1  }
0x21: {  	s15 =	smul.u32 @!p1 $0x18, s15  }
0x22: {  	s16 =	sxor.u32 @!p1 $0xFFFFFFFF, s11;
	s17 =	smul.u32 @!p1 $0x180, s10  }
0x23: {  	s31 =	sadd.s32 $0xFFFFFFFF, s11;
	s16 =	sshll.u32 @!p1 s16, $0xD;
	s14 =	ssub.s32 @!p1 s14, s15  }
0x24: {  	s15 =	sand.u32 @!p1 $0x2000, s16;
	s16 =	sadd.s32 @!p1 s6, s17;
	s14 =	sshll.u32 @!p1 s14, $0x4  }
0x25: {  	s17 =	simm.s32 @!p1 $0xC00;
	s14 =	sadd.s32 @!p1 s14, s16;
	s16 =	simm.s32 @!p1 $0x40  }
0x26: {  	[tilespmem:s15], [sflag:$0x1] =	stream.strided.gather @!p1 [hbm4b:s14+s16], $0x2000, s17, s16, $0x38;
	[tilespmem:$0x8080] =	vst v63  }
0x27: {  	p1 =	sge.u32 s31, s5  }
.Ltmp2:
0x28: {  	_ = 	snop;
	(pc) =	sbr.rel @p1 .LBB1_5-.Ltmp2, $1  }
0x29: {  	_ =	sdelay $0x3  }
0x2a: {  	s14 =	simm.s32 $0x1  }
0x2b: {  	_ =	swait.ge [sflag:s4], $0x2000;
	s14 =	simm.s32 @!p0 $0x0  }
0x2c: {  	[sflag:s4] =	ssyncset.done $0x0;
	s15 =	sshll.u32 s14, $0xD  }
0x2d: {  	[sflag:s4] =	ssyncadd.s32 $0xFFFFE000;
	s18 =	sor.u32 $0x20, s15  }
0x2e: {  	s14 =	smul.u32 $0x8100, s14;
	v3 =	vld [tilespmem:s18+$0x10]  }
0x2f: {  	s30 =	sand.u32 $0x1, s11;
	v2 =	vld [tilespmem:s18+$0xFFFFFFF0]  }
0x30: {  	s15 =	smul.u32 $0x8100, s30;
	s14 =	sshrl.u32 s14, $0x2;
	v0 =	vld [tilespmem:s18+$0x0]  }
0x31: {  	v1 =	vld [tilespmem:s18+$0xFFFFFFE0];
	s16 =	sor.u32 $0x4000, s14  }
0x32: {  	s31 =	sshrl.u32 s15, $0x2;
	s15 =	sadd.s32 $0x0, s16  }
0x33: {  	s17 =	simm.s32 $0x4;
	s18 =	sadd.s32 $0x40, s18;
	s14 =	sor.u32 $0x4000, s31;
	[tilespmem:s15+$0x1830 ss:$0x81] =	vst.msk $0xffff, v3  }
.LBB1_3:
0x34: {  	v3 =	vld [tilespmem:s18+$0x10];
	p1 =	sne.s32 s17, $0x1FC;
	[tilespmem:s15+$0x810 ss:$0x81] =	vst.msk $0xffff, v2;
	s19 =	smov.u32 s17;
	s17 =	sadd.s32 $0x4, s17  }
.Ltmp3:
0x35: {  	v2 =	vld [tilespmem:s18+$0xFFFFFFF0];
	[tilespmem:s15+$0x1020 ss:$0x81] =	vst.msk $0xffff, v0;
	(pc) =	sbr.rel @p1 .LBB1_3-.Ltmp3, $4  }
0x36: {  	v0 =	vld [tilespmem:s18+$0x0];
	[tilespmem:s15+$0x0 ss:$0x81] =	vst.msk $0xffff, v1  }
0x37: {  	s15 =	sshra.s32 s19, $0x2;
	v1 =	vld [tilespmem:s18+$0xFFFFFFE0]  }
0x38: {  	s15 =	sadd.s32 s15, s16  }
0x39: {  	s18 =	sadd.s32 $0x40, s18;
	[tilespmem:s15+$0x1830 ss:$0x81] =	vst.msk $0xffff, v3  }
.Ltmp4:
0x3a: {  	_ = 	snop;
	(pc) =	sbr.rel .LBB1_4-.Ltmp4, $1  }
0x3b: {  	_ =	sdelay $0x3  }
.LBB1_6:
0x3c: {  	_ =	sfence.sel $0x180000  }
0x3d: {  	s2 =	simm.s32 $0x1;
	[bflag:$0x0] =	sbarrier.arrive $0xFFFF  }
0x3e: {  	s31 =	simm.s32 $0x2;
	[sflag:s2] =	ssyncpa.u1 $0x1  }
0x3f: {  	[sflag:s31] =	ssyncpa.u1 $0x1  }
0x40: {  	p0 =	sne.s32 s0, $0x0;
	_ =	strace $0x9000004A  }
0x41: {  	s0 =	sadd.s32 @!p0 $0x100000, s1;
	[bflag:$0x2] =	sbarrier.arrive $0xFFFF  }
0x42: {  	[sflag:s0] =	ssyncadd.tile.s32 @!p0 $0x1;
	_ =	shalt  }
.Lfunc_end1:
_tile_overlayer_lowered:
.L_overlay_start_2:
0x43: {  	(tag) =	ssettag $0x2  }
0x44: {  	s0 =	rddreg [dreg:$0x0];
	s2 =	stileid.u32  }
0x45: {  	s1 =	rddreg [dreg:$0x1];
	p0 =	sne.s32 s2, $0x0  }
0x46: {  	s3 =	rddreg [dreg:$0x2];
	[bflag:$0x3] =	sbarrier.arrive $0xFFFF;
	s2 =	simm.s32 @!p0 $0x1C01  }
0x47: {  	[timem:s3], [sflag:s2] =	dma.local @!p0 [hbm:s0], s1  }
0x48: {  	s0 =	simm.s32 @!p0 $0x1  }
0x49: {  	_ =	swait.ge @!p0 [sflag:s0], s1  }
0x4a: {  	s1 =	ssub.s32 @!p0 $0x0, s1;
	[sflag:s0] =	ssyncset.done @!p0 $0x0  }
0x4b: {  	[sflag:s0] =	ssyncadd.s32 @!p0 s1  }
0x4c: {  	[bflag:$0x3] =	sbarrier.arrive $0xFFFF  }
0x4d: {  	_ =	shalt  }

</sc_bundles>
